<compile_context>
chip_gen: v7x
topology: tpu7x:2x2x1
jax: 0.10.2.dev20260603
libtpu: 0.0.44.dev20260713+nightly
codegen_flags: <defaults>
</compile_context>

<pallas_src>
import jax
import jax.numpy as jnp
from jax import lax
from jax.experimental import pallas as pl
from jax.experimental.pallas import tpu as pltpu
from jax.experimental.pallas import tpu_sc as plsc

_B = 64
_L = 4096
_NC = 2
_NS = 16
_NW = _NC * _NS
_ROWS_PER_W = _B // _NW
_LANES = 16


def _interleave_body(x_hbm, perms_hbm, out_hbm,
                     idx0_v, idx1_v, row0_v, row1_v, out0_v, out1_v,
                     sem_i0, sem_i1, sem_x0, sem_x1, sem_o0, sem_o1):
    wid = lax.axis_index("s") * _NC + lax.axis_index("c")
    r0 = wid * _ROWS_PER_W
    r1 = r0 + 1

    cp_i0 = pltpu.make_async_copy(perms_hbm.at[r0], idx0_v, sem_i0)
    cp_x0 = pltpu.make_async_copy(x_hbm.at[r0], row0_v, sem_x0)
    cp_i1 = pltpu.make_async_copy(perms_hbm.at[r1], idx1_v, sem_i1)
    cp_x1 = pltpu.make_async_copy(x_hbm.at[r1], row1_v, sem_x1)
    cp_i0.start()
    cp_x0.start()
    cp_i1.start()
    cp_x1.start()

    def gather_row(idx_v, row_v, out_v):
        @plsc.parallel_loop(0, _L, _LANES, unroll=8)
        def _(i):
            sl = pl.ds(i, _LANES)
            out_v[sl] = plsc.load_gather(row_v, [idx_v[sl]])

    cp_i0.wait()
    cp_x0.wait()
    gather_row(idx0_v, row0_v, out0_v)
    cp_o0 = pltpu.make_async_copy(out0_v, out_hbm.at[r0], sem_o0)
    cp_o0.start()

    cp_i1.wait()
    cp_x1.wait()
    gather_row(idx1_v, row1_v, out1_v)
    cp_o1 = pltpu.make_async_copy(out1_v, out_hbm.at[r1], sem_o1)
    cp_o1.start()

    cp_o0.wait()
    cp_o1.wait()


def kernel(x, perms):
    x2 = x[..., 0]
    perms32 = perms.astype(jnp.int32)
    mesh = plsc.VectorSubcoreMesh(core_axis_name="c", subcore_axis_name="s")
    run = pl.kernel(
        _interleave_body,
        mesh=mesh,
        out_type=jax.ShapeDtypeStruct((_B, _L), jnp.float32),
        scratch_types=[
            pltpu.VMEM((_L,), jnp.int32),
            pltpu.VMEM((_L,), jnp.int32),
            pltpu.VMEM((_L,), jnp.float32),
            pltpu.VMEM((_L,), jnp.float32),
            pltpu.VMEM((_L,), jnp.float32),
            pltpu.VMEM((_L,), jnp.float32),
            pltpu.SemaphoreType.DMA,
            pltpu.SemaphoreType.DMA,
            pltpu.SemaphoreType.DMA,
            pltpu.SemaphoreType.DMA,
            pltpu.SemaphoreType.DMA,
            pltpu.SemaphoreType.DMA,
        ],
        compiler_params=pltpu.CompilerParams(needs_layout_passes=False),
    )
    return run(x2, perms32)[..., None]

# --- scband reference (transcript-rebuilt; emitter-appended) ---
"""Pipeline reference for scband-pseudo-random-interleaver-67465346286283 (READ-ONLY COPY).

The authoritative reference and input builder live on the scoring server;
editing this copy changes nothing except your own understanding.
"""

import jax, jax.numpy as jnp
import numpy as np

B = 64
L = 4096

def _make_perms():
    perms = []
    for i in range(B):
        np.random.seed(i)
        perms.append(np.random.permutation(np.arange(L)))
    return jnp.asarray(np.stack(perms, axis=0), dtype=jnp.int64)

def setup_inputs(seed: int = 0) -> dict:
    key = jax.random.key(seed)
    x = jax.random.normal(key, (B, L, 1), dtype=jnp.float32)
    perms = _make_perms()
    return {"x": x, "perms": perms}

def reference(x, perms):
    # Faithful translation: per batch row i, gather x[i, :, 0] with the
    # pseudo-random permutation seeded by i, keep shape (B, L, 1).
    p = jnp.take_along_axis(x[..., 0], perms, axis=1)
    return p[..., None]

if __name__ == "__main__":
    import jax
    _d = setup_inputs()
    print(jax.jit(kernel)(*tuple(_d.values())))

</pallas_src>

<mosaic_0001>
#map = affine_map<(d0, d1) -> (0, 0)>
module attributes {stable_mosaic.version = 14 : i64} {
  func.func @_interleave_body(%arg0: i32, %arg1: i32, %arg2: memref<64x4096xf32, #tpu.memory_space<hbm>>, %arg3: memref<64x4096xi32, #tpu.memory_space<hbm>>, %arg4: memref<64x4096xf32, #tpu.memory_space<hbm>>, %arg5: memref<4096xi32, #tpu.memory_space<vmem>>, %arg6: memref<4096xi32, #tpu.memory_space<vmem>>, %arg7: memref<4096xf32, #tpu.memory_space<vmem>>, %arg8: memref<4096xf32, #tpu.memory_space<vmem>>, %arg9: memref<4096xf32, #tpu.memory_space<vmem>>, %arg10: memref<4096xf32, #tpu.memory_space<vmem>>, %arg11: memref<!tpu.dma_semaphore, #tpu.memory_space<semaphore_mem>>, %arg12: memref<!tpu.dma_semaphore, #tpu.memory_space<semaphore_mem>>, %arg13: memref<!tpu.dma_semaphore, #tpu.memory_space<semaphore_mem>>, %arg14: memref<!tpu.dma_semaphore, #tpu.memory_space<semaphore_mem>>, %arg15: memref<!tpu.dma_semaphore, #tpu.memory_space<semaphore_mem>>, %arg16: memref<!tpu.dma_semaphore, #tpu.memory_space<semaphore_mem>>) attributes {dimension_semantics = [#tpu.dimension_semantics<core_parallel>, #tpu.dimension_semantics<subcore_parallel>], iteration_bounds = array<i64: 2, 16>, scalar_prefetch = 0 : i64, scratch_operands = 12 : i64, tpu.core_type = #tpu.core_type<sc_vector_subcore>, window_params = [{transform_indices = #map}, {transform_indices = #map}, {transform_indices = #map}]} {
    %mul3A = arith.constant 2 : i32
    %mul3A_0 = arith.muli %arg1, %mul3A : i32
    %add3A = arith.addi %mul3A_0, %arg0 : i32
    %mul3A_1 = arith.constant 2 : i32
    %mul3A_2 = arith.muli %add3A, %mul3A_1 : i32
    %add3A_3 = arith.constant 1 : i32
    %add3A_4 = arith.addi %mul3A_2, %add3A_3 : i32
    %dma_start3A = arith.constant 0 : i32
    %dma_start3A_5 = tpu.memref_slice %arg3[%mul3A_2, %dma_start3A] : memref<64x4096xi32, #tpu.memory_space<hbm>> -> memref<1x4096xi32, #tpu.memory_space<hbm>>
    %dma_start3A_6 = tpu.memref_squeeze %dma_start3A_5 : memref<1x4096xi32, #tpu.memory_space<hbm>> -> memref<4096xi32, #tpu.memory_space<hbm>>
    %dma_start3A_7 = arith.constant 0 : i32
    %dma_start3A_8 = tpu.memref_slice %arg3[%mul3A_2, %dma_start3A_7] : memref<64x4096xi32, #tpu.memory_space<hbm>> -> memref<1x4096xi32, #tpu.memory_space<hbm>>
    %dma_start3A_9 = tpu.memref_squeeze %dma_start3A_8 : memref<1x4096xi32, #tpu.memory_space<hbm>> -> memref<4096xi32, #tpu.memory_space<hbm>>
    tpu.enqueue_dma source(%dma_start3A_9 : memref<4096xi32, #tpu.memory_space<hbm>>) target(%arg5 : memref<4096xi32, #tpu.memory_space<vmem>>) target_semaphore(%arg11 : memref<!tpu.dma_semaphore, #tpu.memory_space<semaphore_mem>>)
    %dma_start3A_10 = arith.constant 0 : i32
    %dma_start3A_11 = tpu.memref_slice %arg2[%mul3A_2, %dma_start3A_10] : memref<64x4096xf32, #tpu.memory_space<hbm>> -> memref<1x4096xf32, #tpu.memory_space<hbm>>
    %dma_start3A_12 = tpu.memref_squeeze %dma_start3A_11 : memref<1x4096xf32, #tpu.memory_space<hbm>> -> memref<4096xf32, #tpu.memory_space<hbm>>
    %dma_start3A_13 = arith.constant 0 : i32
    %dma_start3A_14 = tpu.memref_slice %arg2[%mul3A_2, %dma_start3A_13] : memref<64x4096xf32, #tpu.memory_space<hbm>> -> memref<1x4096xf32, #tpu.memory_space<hbm>>
    %dma_start3A_15 = tpu.memref_squeeze %dma_start3A_14 : memref<1x4096xf32, #tpu.memory_space<hbm>> -> memref<4096xf32, #tpu.memory_space<hbm>>
    tpu.enqueue_dma source(%dma_start3A_15 : memref<4096xf32, #tpu.memory_space<hbm>>) target(%arg7 : memref<4096xf32, #tpu.memory_space<vmem>>) target_semaphore(%arg13 : memref<!tpu.dma_semaphore, #tpu.memory_space<semaphore_mem>>)
    %dma_start3A_16 = arith.constant 0 : i32
    %dma_start3A_17 = tpu.memref_slice %arg3[%add3A_4, %dma_start3A_16] : memref<64x4096xi32, #tpu.memory_space<hbm>> -> memref<1x4096xi32, #tpu.memory_space<hbm>>
    %dma_start3A_18 = tpu.memref_squeeze %dma_start3A_17 : memref<1x4096xi32, #tpu.memory_space<hbm>> -> memref<4096xi32, #tpu.memory_space<hbm>>
    %dma_start3A_19 = arith.constant 0 : i32
    %dma_start3A_20 = tpu.memref_slice %arg3[%add3A_4, %dma_start3A_19] : memref<64x4096xi32, #tpu.memory_space<hbm>> -> memref<1x4096xi32, #tpu.memory_space<hbm>>
    %dma_start3A_21 = tpu.memref_squeeze %dma_start3A_20 : memref<1x4096xi32, #tpu.memory_space<hbm>> -> memref<4096xi32, #tpu.memory_space<hbm>>
    tpu.enqueue_dma source(%dma_start3A_21 : memref<4096xi32, #tpu.memory_space<hbm>>) target(%arg6 : memref<4096xi32, #tpu.memory_space<vmem>>) target_semaphore(%arg12 : memref<!tpu.dma_semaphore, #tpu.memory_space<semaphore_mem>>)
    %dma_start3A_22 = arith.constant 0 : i32
    %dma_start3A_23 = tpu.memref_slice %arg2[%add3A_4, %dma_start3A_22] : memref<64x4096xf32, #tpu.memory_space<hbm>> -> memref<1x4096xf32, #tpu.memory_space<hbm>>
    %dma_start3A_24 = tpu.memref_squeeze %dma_start3A_23 : memref<1x4096xf32, #tpu.memory_space<hbm>> -> memref<4096xf32, #tpu.memory_space<hbm>>
    %dma_start3A_25 = arith.constant 0 : i32
    %dma_start3A_26 = tpu.memref_slice %arg2[%add3A_4, %dma_start3A_25] : memref<64x4096xf32, #tpu.memory_space<hbm>> -> memref<1x4096xf32, #tpu.memory_space<hbm>>
    %dma_start3A_27 = tpu.memref_squeeze %dma_start3A_26 : memref<1x4096xf32, #tpu.memory_space<hbm>> -> memref<4096xf32, #tpu.memory_space<hbm>>
    tpu.enqueue_dma source(%dma_start3A_27 : memref<4096xf32, #tpu.memory_space<hbm>>) target(%arg8 : memref<4096xf32, #tpu.memory_space<vmem>>) target_semaphore(%arg14 : memref<!tpu.dma_semaphore, #tpu.memory_space<semaphore_mem>>)
    %dma_wait3A = arith.constant 0 : i32
    %dma_wait3A_28 = tpu.memref_slice %arg3[%mul3A_2, %dma_wait3A] : memref<64x4096xi32, #tpu.memory_space<hbm>> -> memref<1x4096xi32, #tpu.memory_space<hbm>>
    %dma_wait3A_29 = tpu.memref_squeeze %dma_wait3A_28 : memref<1x4096xi32, #tpu.memory_space<hbm>> -> memref<4096xi32, #tpu.memory_space<hbm>>
    %dma_wait3A_30 = arith.constant 0 : i32
    %dma_wait3A_31 = tpu.memref_slice %arg3[%mul3A_2, %dma_wait3A_30] : memref<64x4096xi32, #tpu.memory_space<hbm>> -> memref<1x4096xi32, #tpu.memory_space<hbm>>
    %dma_wait3A_32 = tpu.memref_squeeze %dma_wait3A_31 : memref<1x4096xi32, #tpu.memory_space<hbm>> -> memref<4096xi32, #tpu.memory_space<hbm>>
    tpu.wait_dma2 semaphore(%arg11 : memref<!tpu.dma_semaphore, #tpu.memory_space<semaphore_mem>>) src(%dma_wait3A_32 : memref<4096xi32, #tpu.memory_space<hbm>>) dst(%arg5 : memref<4096xi32, #tpu.memory_space<vmem>>)
    %dma_wait3A_33 = arith.constant 0 : i32
    %dma_wait3A_34 = tpu.memref_slice %arg2[%mul3A_2, %dma_wait3A_33] : memref<64x4096xf32, #tpu.memory_space<hbm>> -> memref<1x4096xf32, #tpu.memory_space<hbm>>
    %dma_wait3A_35 = tpu.memref_squeeze %dma_wait3A_34 : memref<1x4096xf32, #tpu.memory_space<hbm>> -> memref<4096xf32, #tpu.memory_space<hbm>>
    %dma_wait3A_36 = arith.constant 0 : i32
    %dma_wait3A_37 = tpu.memref_slice %arg2[%mul3A_2, %dma_wait3A_36] : memref<64x4096xf32, #tpu.memory_space<hbm>> -> memref<1x4096xf32, #tpu.memory_space<hbm>>
    %dma_wait3A_38 = tpu.memref_squeeze %dma_wait3A_37 : memref<1x4096xf32, #tpu.memory_space<hbm>> -> memref<4096xf32, #tpu.memory_space<hbm>>
    tpu.wait_dma2 semaphore(%arg13 : memref<!tpu.dma_semaphore, #tpu.memory_space<semaphore_mem>>) src(%dma_wait3A_38 : memref<4096xf32, #tpu.memory_space<hbm>>) dst(%arg7 : memref<4096xf32, #tpu.memory_space<vmem>>)
    %parallel_loop3A = arith.constant 0 : i32
    %parallel_loop3A_39 = arith.constant 4096 : i32
    %parallel_loop3A_40 = arith.constant 16 : i32
    scf.for %parallel_loop3A_80 = %parallel_loop3A to %parallel_loop3A_39 step %parallel_loop3A_40  : i32 {
      %parallel_loop3A_81 = arith.index_cast %parallel_loop3A_80 : i32 to index
      %parallel_loop3A_82 = tpu.vector_load %arg5[%parallel_loop3A_81] {strides = array<i32>} : memref<4096xi32, #tpu.memory_space<vmem>>, vector<16xi32>,
      %parallel_loop3A_83 = tpu.vector_load_idx %arg7[%parallel_loop3A_82] : memref<4096xf32, #tpu.memory_space<vmem>>[vector<16xi32>], vector<16xf32>,
      %parallel_loop3A_84 = arith.index_cast %parallel_loop3A_80 : i32 to index
      %parallel_loop3A_85 = tpu.vector_load %arg9[%parallel_loop3A_84] {strides = array<i32>} : memref<4096xf32, #tpu.memory_space<vmem>>, vector<16xf32>,
      tpu.vector_store %arg9[%parallel_loop3A_84], %parallel_loop3A_83 {strides = array<i32>} : memref<4096xf32, #tpu.memory_space<vmem>>, vector<16xf32>,
    } {sc.loop_unroll_factor = 8 : i64, sc.parallel_access}
    %dma_start3A_41 = arith.constant 0 : i32
    %dma_start3A_42 = tpu.memref_slice %arg4[%mul3A_2, %dma_start3A_41] : memref<64x4096xf32, #tpu.memory_space<hbm>> -> memref<1x4096xf32, #tpu.memory_space<hbm>>
    %dma_start3A_43 = tpu.memref_squeeze %dma_start3A_42 : memref<1x4096xf32, #tpu.memory_space<hbm>> -> memref<4096xf32, #tpu.memory_space<hbm>>
    %dma_start3A_44 = arith.constant 0 : i32
    %dma_start3A_45 = tpu.memref_slice %arg4[%mul3A_2, %dma_start3A_44] : memref<64x4096xf32, #tpu.memory_space<hbm>> -> memref<1x4096xf32, #tpu.memory_space<hbm>>
    %dma_start3A_46 = tpu.memref_squeeze %dma_start3A_45 : memref<1x4096xf32, #tpu.memory_space<hbm>> -> memref<4096xf32, #tpu.memory_space<hbm>>
    tpu.enqueue_dma source(%arg9 : memref<4096xf32, #tpu.memory_space<vmem>>) target(%dma_start3A_46 : memref<4096xf32, #tpu.memory_space<hbm>>) target_semaphore(%arg15 : memref<!tpu.dma_semaphore, #tpu.memory_space<semaphore_mem>>)
    %dma_wait3A_47 = arith.constant 0 : i32
    %dma_wait3A_48 = tpu.memref_slice %arg3[%add3A_4, %dma_wait3A_47] : memref<64x4096xi32, #tpu.memory_space<hbm>> -> memref<1x4096xi32, #tpu.memory_space<hbm>>
    %dma_wait3A_49 = tpu.memref_squeeze %dma_wait3A_48 : memref<1x4096xi32, #tpu.memory_space<hbm>> -> memref<4096xi32, #tpu.memory_space<hbm>>
    %dma_wait3A_50 = arith.constant 0 : i32
    %dma_wait3A_51 = tpu.memref_slice %arg3[%add3A_4, %dma_wait3A_50] : memref<64x4096xi32, #tpu.memory_space<hbm>> -> memref<1x4096xi32, #tpu.memory_space<hbm>>
    %dma_wait3A_52 = tpu.memref_squeeze %dma_wait3A_51 : memref<1x4096xi32, #tpu.memory_space<hbm>> -> memref<4096xi32, #tpu.memory_space<hbm>>
    tpu.wait_dma2 semaphore(%arg12 : memref<!tpu.dma_semaphore, #tpu.memory_space<semaphore_mem>>) src(%dma_wait3A_52 : memref<4096xi32, #tpu.memory_space<hbm>>) dst(%arg6 : memref<4096xi32, #tpu.memory_space<vmem>>)
    %dma_wait3A_53 = arith.constant 0 : i32
    %dma_wait3A_54 = tpu.memref_slice %arg2[%add3A_4, %dma_wait3A_53] : memref<64x4096xf32, #tpu.memory_space<hbm>> -> memref<1x4096xf32, #tpu.memory_space<hbm>>
    %dma_wait3A_55 = tpu.memref_squeeze %dma_wait3A_54 : memref<1x4096xf32, #tpu.memory_space<hbm>> -> memref<4096xf32, #tpu.memory_space<hbm>>
    %dma_wait3A_56 = arith.constant 0 : i32
    %dma_wait3A_57 = tpu.memref_slice %arg2[%add3A_4, %dma_wait3A_56] : memref<64x4096xf32, #tpu.memory_space<hbm>> -> memref<1x4096xf32, #tpu.memory_space<hbm>>
    %dma_wait3A_58 = tpu.memref_squeeze %dma_wait3A_57 : memref<1x4096xf32, #tpu.memory_space<hbm>> -> memref<4096xf32, #tpu.memory_space<hbm>>
    tpu.wait_dma2 semaphore(%arg14 : memref<!tpu.dma_semaphore, #tpu.memory_space<semaphore_mem>>) src(%dma_wait3A_58 : memref<4096xf32, #tpu.memory_space<hbm>>) dst(%arg8 : memref<4096xf32, #tpu.memory_space<vmem>>)
    %parallel_loop3A_59 = arith.constant 0 : i32
    %parallel_loop3A_60 = arith.constant 4096 : i32
    %parallel_loop3A_61 = arith.constant 16 : i32
    scf.for %parallel_loop3A_80 = %parallel_loop3A_59 to %parallel_loop3A_60 step %parallel_loop3A_61  : i32 {
      %parallel_loop3A_81 = arith.index_cast %parallel_loop3A_80 : i32 to index
      %parallel_loop3A_82 = tpu.vector_load %arg6[%parallel_loop3A_81] {strides = array<i32>} : memref<4096xi32, #tpu.memory_space<vmem>>, vector<16xi32>,
      %parallel_loop3A_83 = tpu.vector_load_idx %arg8[%parallel_loop3A_82] : memref<4096xf32, #tpu.memory_space<vmem>>[vector<16xi32>], vector<16xf32>,
      %parallel_loop3A_84 = arith.index_cast %parallel_loop3A_80 : i32 to index
      %parallel_loop3A_85 = tpu.vector_load %arg10[%parallel_loop3A_84] {strides = array<i32>} : memref<4096xf32, #tpu.memory_space<vmem>>, vector<16xf32>,
      tpu.vector_store %arg10[%parallel_loop3A_84], %parallel_loop3A_83 {strides = array<i32>} : memref<4096xf32, #tpu.memory_space<vmem>>, vector<16xf32>,
    } {sc.loop_unroll_factor = 8 : i64, sc.parallel_access}
    %dma_start3A_62 = arith.constant 0 : i32
    %dma_start3A_63 = tpu.memref_slice %arg4[%add3A_4, %dma_start3A_62] : memref<64x4096xf32, #tpu.memory_space<hbm>> -> memref<1x4096xf32, #tpu.memory_space<hbm>>
    %dma_start3A_64 = tpu.memref_squeeze %dma_start3A_63 : memref<1x4096xf32, #tpu.memory_space<hbm>> -> memref<4096xf32, #tpu.memory_space<hbm>>
    %dma_start3A_65 = arith.constant 0 : i32
    %dma_start3A_66 = tpu.memref_slice %arg4[%add3A_4, %dma_start3A_65] : memref<64x4096xf32, #tpu.memory_space<hbm>> -> memref<1x4096xf32, #tpu.memory_space<hbm>>
    %dma_start3A_67 = tpu.memref_squeeze %dma_start3A_66 : memref<1x4096xf32, #tpu.memory_space<hbm>> -> memref<4096xf32, #tpu.memory_space<hbm>>
    tpu.enqueue_dma source(%arg10 : memref<4096xf32, #tpu.memory_space<vmem>>) target(%dma_start3A_67 : memref<4096xf32, #tpu.memory_space<hbm>>) target_semaphore(%arg16 : memref<!tpu.dma_semaphore, #tpu.memory_space<semaphore_mem>>)
    %dma_wait3A_68 = arith.constant 0 : i32
    %dma_wait3A_69 = tpu.memref_slice %arg4[%mul3A_2, %dma_wait3A_68] : memref<64x4096xf32, #tpu.memory_space<hbm>> -> memref<1x4096xf32, #tpu.memory_space<hbm>>
    %dma_wait3A_70 = tpu.memref_squeeze %dma_wait3A_69 : memref<1x4096xf32, #tpu.memory_space<hbm>> -> memref<4096xf32, #tpu.memory_space<hbm>>
    %dma_wait3A_71 = arith.constant 0 : i32
    %dma_wait3A_72 = tpu.memref_slice %arg4[%mul3A_2, %dma_wait3A_71] : memref<64x4096xf32, #tpu.memory_space<hbm>> -> memref<1x4096xf32, #tpu.memory_space<hbm>>
    %dma_wait3A_73 = tpu.memref_squeeze %dma_wait3A_72 : memref<1x4096xf32, #tpu.memory_space<hbm>> -> memref<4096xf32, #tpu.memory_space<hbm>>
    tpu.wait_dma2 semaphore(%arg15 : memref<!tpu.dma_semaphore, #tpu.memory_space<semaphore_mem>>) src(%arg9 : memref<4096xf32, #tpu.memory_space<vmem>>) dst(%dma_wait3A_73 : memref<4096xf32, #tpu.memory_space<hbm>>)
    %dma_wait3A_74 = arith.constant 0 : i32
    %dma_wait3A_75 = tpu.memref_slice %arg4[%add3A_4, %dma_wait3A_74] : memref<64x4096xf32, #tpu.memory_space<hbm>> -> memref<1x4096xf32, #tpu.memory_space<hbm>>
    %dma_wait3A_76 = tpu.memref_squeeze %dma_wait3A_75 : memref<1x4096xf32, #tpu.memory_space<hbm>> -> memref<4096xf32, #tpu.memory_space<hbm>>
    %dma_wait3A_77 = arith.constant 0 : i32
    %dma_wait3A_78 = tpu.memref_slice %arg4[%add3A_4, %dma_wait3A_77] : memref<64x4096xf32, #tpu.memory_space<hbm>> -> memref<1x4096xf32, #tpu.memory_space<hbm>>
    %dma_wait3A_79 = tpu.memref_squeeze %dma_wait3A_78 : memref<1x4096xf32, #tpu.memory_space<hbm>> -> memref<4096xf32, #tpu.memory_space<hbm>>
    tpu.wait_dma2 semaphore(%arg16 : memref<!tpu.dma_semaphore, #tpu.memory_space<semaphore_mem>>) src(%arg10 : memref<4096xf32, #tpu.memory_space<vmem>>) dst(%dma_wait3A_79 : memref<4096xf32, #tpu.memory_space<hbm>>)
    return
  }
}

</mosaic_0001>

<sc_bundles>
// kernel: kernel.3.cloned.1.call-start
scs
__scs_entry_jumppad:
0x0: {  	(pc) =	sbr.rel $0x88, $3  }
0x1: {  	(tag) =	ssettag $0x0;
	lr =	simm.s32 $0x1  }
0x2: {  	[smem:$0x3F9F] =	sst lr;
	_ =	strace $0xD0000000  }
0x3: {  	_ = 	snop  }
0x4: {  	_ = 	snop  }
0x5: {  	_ = 	snop  }
0x6: {  	_ = 	snop  }
0x7: {  	_ = 	snop  }
__scs_overlays_trampoline_lowered:
0x8: {  	[smem:$0x3FAE] =	sst s0  }
0x9: {  	[smem:$0x3FAF] =	sst s1  }
0xa: {  	[smem:$0x3FB0] =	sst s2  }
0xb: {  	[smem:$0x3FB1] =	sst s3  }
0xc: {  	[smem:$0x3FB2] =	sst s4  }
0xd: {  	[smem:$0x3FB3] =	sst s5  }
0xe: {  	[smem:$0x3FB4] =	sst s6  }
0xf: {  	[smem:$0x3FB5] =	sst s7  }
0x10: {  	[smem:$0x3FB6] =	sst s8  }
0x11: {  	[smem:$0x3FB7] =	sst s9;
	s0 =	simm.s32 @!p0 $0x0  }
0x12: {  	s1 =	sld [smem:$0x3F9D];
	s0 =	simm.s32 @p0 $0x1  }
0x13: {  	[smem:$0x3FB8] =	sst s0;
	s0 =	simm.s32 @!p1 $0x0  }
0x14: {  	s2 =	sld [smem:$0x3F9C];
	s0 =	simm.s32 @p1 $0x1  }
0x15: {  	[smem:$0x3FB9] =	sst s0;
	s0 =	simm.s32 @!p2 $0x0  }
0x16: {  	s3 =	sld [smem:$0x3FDB];
	s0 =	simm.s32 @p2 $0x1  }
0x17: {  	s4 =	simm.s32 $0x1BF5;
	[smem:$0x3FBB] =	sst s0  }
0x18: {  	s0 =	sld [smem:$0x3F9E];
	_ =	swait.ge [sflag:s4], $0x0  }
0x19: {  	s7 =	sld [smem:$0x3F9F]  }
0x1a: {  	s8 =	sadd.s32 $0xFFFFE003, lr  }
0x1b: {  	s9 =	sadd.s32 $0xFFFFFEF7, lr;
	s5 =	simm.s32 $0xFFFFFFFF;
	p2 =	slt.u32 s8, $0xFFFFF086  }
0x1c: {  	p1 =	slt.u32 s9, $0xF7A;
	s5 =	simm.s32 @!p2 $0x0  }
0x1d: {  	s5 =	simm.s32 @p1 $0x1;
	p0 =	seq.s32 s7, s2  }
0x1e: {  	s7 =	smul.u32 @!p0 $0xF7A, s2;
	p2 =	seq.s32 @!p0 s5, $0x0  }
0x1f: {  	s9 =	smul.u32 $0xF7A, s1;
	s8 =	simm.s32 @!p0 $0x1BF5;
	p2 =	por !p2, p0  }
0x20: {  	[sflag:s8] =	ssyncset.s32 @!p0 $0xFFFFF086;
	s6 =	sadd.s32 @!p0 s3, s7;
	s7 =	simm.s32 @!p0 $0x108  }
0x21: {  	s3 =	sadd.s32 s3, s9;
	s6 =	sadd.s32 @!p0 $0x88, s6;
	s7 =	simm.s32 @p2 $0x1082  }
0x22: {  	[simem:s7], [sflag:s8] =	dma.local @!p0 [hbm:s6], $0xF7A  }
0x23: {  	s9 =	sor.u32 $0xD0000000, s2;
	s6 =	simm.s32 $0x108;
	_ =	swait.ge @!p0 [sflag:s8], $0x0  }
0x24: {  	s3 =	sadd.s32 $0x88, s3;
	s6 =	simm.s32 @!p1 $0x1082;
	[sflag:s4] =	ssyncset.s32 $0xFFFFF086  }
0x25: {  	[simem:s6], [sflag:s4] =	dma.local [hbm:s3], $0xF7A  }
0x26: {  	[smem:$0x3F9F] =	sst s1;
	(tag) =	ssettag s2;
	_ =	strace s9  }
0x27: {  	s1 =	sld [smem:$0x3FAF]  }
0x28: {  	s2 =	sld [smem:$0x3FB0]  }
0x29: {  	s4 =	sld [smem:$0x3FB2]  }
0x2a: {  	p0 =	seq.s32 s5, $0x0;
	s5 =	sld [smem:$0x3FB3]  }
0x2b: {  	s6 =	sld [smem:$0x3FB4]  }
0x2c: {  	s7 =	sld [smem:$0x3FB5]  }
0x2d: {  	s3 =	simm.s32 $0x108;
	s8 =	sld [smem:$0x3FB6]  }
0x2e: {  	s3 =	simm.s32 @!p0 $0x1082;
	s9 =	sld [smem:$0x3FB7]  }
0x2f: {  	lr =	sadd.s32 s0, s3;
	s0 =	sld [smem:$0x3FAE]  }
0x30: {  	s3 =	sld [smem:$0x3FB1]  }
0x31: {  	[smem:$0x3FBA] =	sst s10  }
0x32: {  	s10 =	sld [smem:$0x3FB8];
	_ =	sdelay $0x3  }
0x33: {  	p0 =	seq.s32 s10, $0x1;
	s10 =	sld [smem:$0x3FBA];
	_ =	sdelay $0x3  }
0x34: {  	[smem:$0x3FBA] =	sst s10  }
0x35: {  	s10 =	sld [smem:$0x3FB9];
	_ =	sdelay $0x3  }
0x36: {  	p1 =	seq.s32 s10, $0x1;
	s10 =	sld [smem:$0x3FBA];
	_ =	sdelay $0x3  }
0x37: {  	[smem:$0x3FBA] =	sst s10  }
0x38: {  	s10 =	sld [smem:$0x3FBB]  }
0x39: {  	_ = 	snop;
	(pc) =	sbr.ind lr, $3  }
0x3a: {  	_ = 	snop  }
0x3b: {  	_ = 	snop  }
0x3c: {  	p2 =	seq.s32 s10, $0x1;
	s10 =	sld [smem:$0x3FBA]  }
0x3d: {  	_ =	shalt  }
0x3e: {  	_ =	shalt  }
0x3f: {  	_ =	shalt  }
0x40: {  	_ =	shalt  }
0x41: {  	_ =	shalt  }
0x42: {  	_ =	shalt  }
0x43: {  	_ =	shalt  }
0x44: {  	_ =	shalt  }
0x45: {  	_ =	shalt  }
0x46: {  	_ =	shalt  }
0x47: {  	_ =	shalt  }
0x48: {  	_ =	shalt  }
0x49: {  	_ =	shalt  }
0x4a: {  	_ =	shalt  }
0x4b: {  	_ =	shalt  }
0x4c: {  	_ =	shalt  }
0x4d: {  	_ =	shalt  }
0x4e: {  	_ =	shalt  }
0x4f: {  	_ =	shalt  }
0x50: {  	_ =	shalt  }
0x51: {  	_ =	shalt  }
0x52: {  	_ =	shalt  }
0x53: {  	_ =	shalt  }
0x54: {  	_ =	shalt  }
0x55: {  	_ =	shalt  }
0x56: {  	_ =	shalt  }
0x57: {  	_ =	shalt  }
0x58: {  	_ =	shalt  }
0x59: {  	_ =	shalt  }
0x5a: {  	_ =	shalt  }
0x5b: {  	_ =	shalt  }
0x5c: {  	_ =	shalt  }
0x5d: {  	_ =	shalt  }
0x5e: {  	_ =	shalt  }
0x5f: {  	_ =	shalt  }
0x60: {  	_ =	shalt  }
0x61: {  	_ =	shalt  }
0x62: {  	_ =	shalt  }
0x63: {  	_ =	shalt  }
0x64: {  	_ =	shalt  }
0x65: {  	_ =	shalt  }
0x66: {  	_ =	shalt  }
0x67: {  	_ =	shalt  }
0x68: {  	_ =	shalt  }
0x69: {  	_ =	shalt  }
0x6a: {  	_ =	shalt  }
0x6b: {  	_ =	shalt  }
0x6c: {  	_ =	shalt  }
0x6d: {  	_ =	shalt  }
0x6e: {  	_ =	shalt  }
0x6f: {  	_ =	shalt  }
0x70: {  	_ =	shalt  }
0x71: {  	_ =	shalt  }
0x72: {  	_ =	shalt  }
0x73: {  	_ =	shalt  }
0x74: {  	_ =	shalt  }
0x75: {  	_ =	shalt  }
0x76: {  	_ =	shalt  }
0x77: {  	_ =	shalt  }
0x78: {  	_ =	shalt  }
0x79: {  	_ =	shalt  }
0x7a: {  	_ =	shalt  }
0x7b: {  	_ =	shalt  }
0x7c: {  	_ =	shalt  }
0x7d: {  	_ =	shalt  }
0x7e: {  	_ =	shalt  }
0x7f: {  	_ =	shalt  }
0x80: {  	_ =	shalt  }
0x81: {  	_ =	shalt  }
0x82: {  	_ =	shalt  }
0x83: {  	_ =	shalt  }
0x84: {  	_ =	shalt  }
0x85: {  	_ =	shalt  }
0x86: {  	_ =	shalt  }
0x87: {  	_ =	shalt  }
.Lfunc_end0:
.L_simem_size_0:
called_computation_lowered:
.L_overlay_start_0:
0x88: {  	s2 =	sld [smem:$0x3FD9]  }
0x89: {  	s3 =	sld [smem:$0x3FFE];
	_ =	sdelay $0x1  }
0x8a: {  	s1 =	srdreg.scid  }
0x8b: {  	s0 =	sand.u32 $0x1, s1  }
0x8c: {  	s17 =	sshll.u32 s0, $0xA;
	s2 =	sadd.s32 s3, s2  }
0x8d: {  	s2 =	sadd.s32 s2, s17  }
0x8e: {  	[smem:$0x3FC6] =	sst s2  }
0x8f: {  	_ = 	snop  }
0x90: {  	s2 =	sld [smem:$0x3FC8]  }
0x91: {  	s18 =	sld [smem:$0x3FD0];
	(tm) =	ssettm $0x1  }
0x92: {  	s4 =	sld [smem:$0x3FFB];
	_ =	sdelay $0x3  }
0x93: {  	_ =	strace s4  }
0x94: {  	s4 =	sld [smem:$0x3FFC];
	_ =	sdelay $0x3  }
0x95: {  	_ =	strace s4  }
0x96: {  	s4 =	sld [smem:$0x3FFD];
	_ =	sdelay $0x3  }
0x97: {  	_ =	strace s4  }
0x98: {  	_ =	strace $0x8FFFFFFF  }
0x99: {  	s19 =	sld [smem:$0x3FDB];
	_ =	sdelay $0x1  }
0x9a: {  	s5 =	simm.s32 $_scs_section_size  }
0x9b: {  	s6 =	simm.s32 $_size__tile_overlayer_lowered;
	s7 =	simm.s32 $_tile_overlayer_lowered  }
0x9c: {  	s22 =	simm.s32 $0x1BFF;
	s21 =	sshll.u32 s7, $0x1;
	s4 =	sadd.s32 s5, s19  }
0x9d: {  	s8 =	simm.s32 $0x0;
	s20 =	sshll.u32 s6, $0x1;
	s6 =	sadd.s32 s21, s4  }
0x9e: {  	[timem:s8], [sflag:s22] =	dma.local [hbm:s6], s20  }
0x9f: {  	_ =	swait.ge [sflag:s22], s20  }
0xa0: {  	s5 =	ssub.s32 $0x0, s20;
	[sflag:s22] =	ssyncset.done $0x0  }
0xa1: {  	[sflag:s22] =	ssyncadd.s32 s5;
	_ =	sdelay $0x1  }
0xa2: {  	s23 =	simm.s32 $0x1B8B  }
0xa3: {  	_ =	swait.ge [sflag:s23], $0x1  }
0xa4: {  	[sflag:s23] =	ssyncset.done $0x0  }
0xa5: {  	s25 =	simm.s32 $0x1B8E;
	s24 =	sld [smem:$0x3FFE];
	[sflag:s23] =	ssyncadd.s32 $0xFFFFFFFF  }
0xa6: {  	s26 =	simm.s32 $execute0_lowered;
	[smem:$0x3FD2] =	sst s25  }
0xa7: {  	s6 =	sshll.u32 s26, $0x1;
	_ =	strace $0x80000046;
	[dreg:$0x1] =	wrdreg $0xFFFFFFFF  }
0xa8: {  	s28 =	simm.s32 $_size_execute0_lowered;
	s4 =	sadd.s32 s4, s6;
	[dreg:$0x0] =	wrdreg $0x0  }
0xa9: {  	s6 =	sshll.u32 s28, $0x1;
	[dreg:$0x2] =	wrdreg s4  }
0xaa: {  	[dreg:$0x3] =	wrdreg s6  }
0xab: {  	[dreg:$0x4] =	wrdreg $0xC0  }
0xac: {  	_ =	task [dreg:s8], $0x5FFFF  }
0xad: {  	[dreg:$0x1] =	wrdreg $0xFFFFFFFF  }
0xae: {  	[dreg:$0x0] =	wrdreg $0x60  }
0xaf: {  	[dreg:$0x2] =	wrdreg s18  }
0xb0: {  	[dreg:$0x3] =	wrdreg s2  }
0xb1: {  	[dreg:$0x4] =	wrdreg s24  }
0xb2: {  	[dreg:$0x5] =	wrdreg $0x9  }
0xb3: {  	_ =	task.clear_ibuf [dreg:s8], $0x6FFFF;
	_ =	strace $0x90000046  }
0xb4: {  	s29 =	simm.s32 $0x9;
	_ =	strace $0x80000048  }
0xb5: {  	_ =	swait.ge [sflag:s29], $0x1  }
0xb6: {  	[sflag:s29] =	ssyncadd.s32 $0xFFFFFFFF  }
0xb7: {  	_ =	strace $0x90000048  }
0xb8: {  	_ =	sfence  }
0xb9: {  	s30 =	sld [smem:$0x0];
	_ =	sdelay $0x2  }
0xba: {  	s31 =	sshll.u32 s1, $0xD;
	s1 =	sshrl.u32 s1, $0x2  }
0xbb: {  	s3 =	sand.u32 $0x4000, s31;
	s1 =	sadd.s32 s1, s30  }
0xbc: {  	s0 =	sor.u32 s3, s0;
	s1 =	sshll.u32 s1, $0x11  }
0xbd: {  	s0 =	sor.u32 s1, s0  }
0xbe: {  	s0 =	sadd.s32 $0x8F2B, s0  }
0xbf: {  	[sflag:s0] =	ssyncadd.remote.s32 $0x1  }
0xc0: {  	_ =	sfence.sel $0xFFFF  }
0xc1: {  	[dreg:$0x0] =	wrdreg $0xFFFFFFFF;
	(pc) =	sbr.abs _section_cstart, $3  }
0xc2: {  	[dreg:$0x1] =	wrdreg $0xFFFFFFFF  }
0xc3: {  	_ =	task.clear_ibuf [dreg:s8], $0x2FFFF;
	_ =	strace $0x9FFFFFFF  }
0xc4: {  	(tm) =	ssettm $0x7FFFFFFF  }
0xc5: {  	_ =	shalt  }
tec
execute0_lowered:
.L_overlay_start_1:
0x0: {  	(tag) =	ssettag $0x1  }
0x1: {  	s6 =	rddreg [dreg:$0x0]  }
0x2: {  	s5 =	rddreg [dreg:$0x1]  }
0x3: {  	s3 =	rddreg [dreg:$0x2]  }
0x4: {  	s0 =	rddreg [dreg:$0x3]  }
0x5: {  	s2 =	simm.s32 $0x0;
	s4 =	srdreg.scid;
	s1 =	stileid.u32  }
0x6: {  	s11 =	simm.s32 $0x400;
	s12 =	simm.s32 $0x2000;
	s13 =	simm.s32 $0x1000  }
0x7: {  	s14 =	simm.s32 $0x3000;
	s15 =	simm.s32 $0x1;
	s16 =	simm.s32 $0x3  }
0x8: {  	s17 =	simm.s32 $0x4000;
	s18 =	simm.s32 $0x2;
	s19 =	simm.s32 $0x4  }
0x9: {  	s20 =	simm.s32 $0x5000;
	s21 =	simm.s32 $0x5;
	s22 =	simm.s32 $0x6  }
0xa: {  	s23 =	simm.s32 $0x0;
	[smem:$0x7FF] =	sst s2;
	s4 =	sand.u32 $0x1, s4  }
0xb: {  	s7 =	sshll.u32 s1, $0x6;
	s9 =	sshll.u32 s1, $0xB;
	s30 =	sadd.s32 $0x400, s3  }
0xc: {  	s8 =	sshll.u32 s4, $0x5;
	s7 =	sand.u32 $0x40, s7;
	s4 =	ssub.s32 $0x2, s4  }
0xd: {  	s9 =	sand.u32 $0x7000, s9;
	s7 =	sor.u32 s8, s7;
	s29 =	sshrl.u32 s4, $0x1  }
0xe: {  	_ =	strace $0x80000047;
	s7 =	sor.u32 s9, s7;
	s10 =	ssub.s32 s4, s29  }
0xf: {  	s31 =	sor.u32 $0x10, s7;
	s3 =	sadd.s32 s5, s7;
	s4 =	sadd.s32 s6, s7  }
0x10: {  	s7 =	sadd.s32 s30, s7;
	s9 =	smax.u32 s10, $0x1;
	s10 =	simm.s32 $0x80  }
0x11: {  	s5 =	sadd.s32 s5, s31;
	s6 =	sadd.s32 s6, s31;
	s8 =	sadd.s32 s30, s31  }
.LBB2_1:
0x12: {  	[tilespmem:s2], [sflag:$0x1] =	stream.strided.gather [hbm4b:s3+s10], $0x1000, s11, s10, $0x38;
	[tilespmem:$0x6000] =	vst v63  }
0x13: {  	_ = 	snop  }
0x14: {  	[tilespmem:s12], [sflag:$0x3] =	stream.strided.gather [hbm4b:s4+s10], $0x1000, s11, s10, $0x38;
	[tilespmem:$0x6000] =	vst v63  }
0x15: {  	_ = 	snop  }
0x16: {  	[tilespmem:s13], [sflag:$0x2] =	stream.strided.gather [hbm4b:s5+s10], $0x1000, s11, s10, $0x38;
	[tilespmem:$0x6000] =	vst v63  }
0x17: {  	_ = 	snop  }
0x18: {  	[tilespmem:s14], [sflag:$0x4] =	stream.strided.gather [hbm4b:s6+s10], $0x1000, s11, s10, $0x38;
	[tilespmem:$0x6000] =	vst v63  }
0x19: {  	_ =	swait.ge [sflag:s15], $0x1000  }
0x1a: {  	[sflag:s15] =	ssyncset.done $0x0  }
0x1b: {  	[sflag:s15] =	ssyncadd.s32 $0xFFFFF000  }
0x1c: {  	_ =	swait.ge [sflag:s16], $0x1000  }
0x1d: {  	[sflag:s16] =	ssyncset.done $0x0  }
0x1e: {  	s24 =	simm.s32 $0x40;
	[sflag:s16] =	ssyncadd.s32 $0xFFFFF000  }
0x1f: {  	v0 =	vld [tilespmem:s24+$0x30]  }
0x20: {  	v1 =	vld [tilespmem:s24+$0xFFFFFFD0]  }
0x21: {  	v2 =	vld [tilespmem:s24+$0xFFFFFFE0]  }
0x22: {  	v3 =	vld [tilespmem:s24+$0xFFFFFFF0]  }
0x23: {  	v4 =	vld [tilespmem:s24+$0x0]  }
0x24: {  	v6 =	vld [tilespmem:s24+$0x10]  }
0x25: {  	v7 =	vld [tilespmem:s24+$0x20]  }
0x26: {  	v8 =	vld [tilespmem:s24+$0xFFFFFFC0]  }
0x27: {  	v9 =	vld.idx.msk [tilespmem:v0+s12+$0x0], $0xffff  }
0x28: {  	v10 =	vld.idx.msk [tilespmem:v1+s12+$0x0], $0xffff  }
0x29: {  	v5 =	vld.idx.msk [tilespmem:v2+s12+$0x0], $0xffff  }
0x2a: {  	v3 =	vld.idx.msk [tilespmem:v3+s12+$0x0], $0xffff  }
0x2b: {  	v0 =	vld.idx.msk [tilespmem:v4+s12+$0x0], $0xffff  }
0x2c: {  	s24 =	simm.s32 $0x4040;
	v1 =	vld.idx.msk [tilespmem:v6+s12+$0x0], $0xffff  }
0x2d: {  	v2 =	vld.idx.msk [tilespmem:v7+s12+$0x0], $0xffff;
	[tilespmem:s24+$0x30] =	vst v9  }
0x2e: {  	s25 =	simm.s32 $0x0;
	s26 =	simm.s32 $0xC0;
	v4 =	vld.idx.msk [tilespmem:v8+s12+$0x0], $0xffff;
	[tilespmem:s24+$0xFFFFFFD0] =	vst v10  }
.LBB2_2:
0x2f: {  	v6 =	vld [tilespmem:s26+$0x30];
	s25 =	sadd.s32 $0x80, s25;
	[tilespmem:s24+$0xFFFFFFE0] =	vst v5  }
0x30: {  	v5 =	vld [tilespmem:s26+$0xFFFFFFD0];
	p0 =	slt.u32 s25, $0xF80;
	[tilespmem:s24+$0xFFFFFFF0] =	vst v3  }
0x31: {  	v3 =	vld [tilespmem:s26+$0xFFFFFFE0];
	[tilespmem:s24+$0x0] =	vst v0  }
0x32: {  	v0 =	vld [tilespmem:s26+$0xFFFFFFF0];
	[tilespmem:s24+$0x10] =	vst v1  }
0x33: {  	v1 =	vld [tilespmem:s26+$0x0];
	[tilespmem:s24+$0x20] =	vst v2  }
0x34: {  	v2 =	vld [tilespmem:s26+$0x10];
	[tilespmem:s24+$0xFFFFFFC0] =	vst v4  }
0x35: {  	v4 =	vld [tilespmem:s26+$0x20]  }
0x36: {  	v7 =	vld [tilespmem:s26+$0xFFFFFFC0]  }
0x37: {  	v6 =	vld.idx.msk [tilespmem:v6+s12+$0x0], $0xffff  }
0x38: {  	v8 =	vld.idx.msk [tilespmem:v5+s12+$0x0], $0xffff  }
0x39: {  	v5 =	vld.idx.msk [tilespmem:v3+s12+$0x0], $0xffff  }
.Ltmp0:
0x3a: {  	v3 =	vld.idx.msk [tilespmem:v0+s12+$0x0], $0xffff;
	(pc) =	sbr.rel @p0 .LBB2_2-.Ltmp0, $4  }
0x3b: {  	v0 =	vld.idx.msk [tilespmem:v1+s12+$0x0], $0xffff  }
0x3c: {  	s24 =	sadd.s32 $0x80, s24;
	v1 =	vld.idx.msk [tilespmem:v2+s12+$0x0], $0xffff  }
0x3d: {  	v2 =	vld.idx.msk [tilespmem:v4+s12+$0x0], $0xffff;
	[tilespmem:s24+$0x30] =	vst v6  }
0x3e: {  	s26 =	sadd.s32 $0x80, s26;
	v4 =	vld.idx.msk [tilespmem:v7+s12+$0x0], $0xffff;
	[tilespmem:s24+$0xFFFFFFD0] =	vst v8  }
0x3f: {  	[tilespmem:s24+$0xFFFFFFE0] =	vst v5  }
0x40: {  	[tilespmem:s24+$0xFFFFFFF0] =	vst v3  }
0x41: {  	[tilespmem:s24+$0x0] =	vst v0  }
0x42: {  	[tilespmem:s24+$0x10] =	vst v1  }
0x43: {  	[tilespmem:s24+$0x20] =	vst v2  }
0x44: {  	[tilespmem:s24+$0xFFFFFFC0] =	vst v4  }
0x45: {  	[hbm4b:s7+s10] =	stream.strided.scatter [tilespmem:s17], [sflag:$0x5], $0x1000, s11, s10, $0x38;
	[tilespmem:$0x6000] =	vst v63  }
0x46: {  	_ =	swait.ge [sflag:s18], $0x1000  }
0x47: {  	[sflag:s18] =	ssyncset.done $0x0  }
0x48: {  	[sflag:s18] =	ssyncadd.s32 $0xFFFFF000  }
0x49: {  	_ =	swait.ge [sflag:s19], $0x1000  }
0x4a: {  	[sflag:s19] =	ssyncset.done $0x0  }
0x4b: {  	s31 =	simm.s32 $0x1040;
	[sflag:s19] =	ssyncadd.s32 $0xFFFFF000  }
0x4c: {  	v0 =	vld [tilespmem:s31+$0x30]  }
0x4d: {  	v1 =	vld [tilespmem:s31+$0xFFFFFFD0]  }
0x4e: {  	v2 =	vld [tilespmem:s31+$0xFFFFFFE0]  }
0x4f: {  	v3 =	vld [tilespmem:s31+$0xFFFFFFF0]  }
0x50: {  	v4 =	vld [tilespmem:s31+$0x0]  }
0x51: {  	v6 =	vld [tilespmem:s31+$0x10]  }
0x52: {  	v7 =	vld [tilespmem:s31+$0x20]  }
0x53: {  	v8 =	vld [tilespmem:s31+$0xFFFFFFC0]  }
0x54: {  	v9 =	vld.idx.msk [tilespmem:v0+s14+$0x0], $0xffff  }
0x55: {  	v10 =	vld.idx.msk [tilespmem:v1+s14+$0x0], $0xffff  }
0x56: {  	v5 =	vld.idx.msk [tilespmem:v2+s14+$0x0], $0xffff  }
0x57: {  	v3 =	vld.idx.msk [tilespmem:v3+s14+$0x0], $0xffff  }
0x58: {  	v0 =	vld.idx.msk [tilespmem:v4+s14+$0x0], $0xffff  }
0x59: {  	s24 =	simm.s32 $0x5040;
	v1 =	vld.idx.msk [tilespmem:v6+s14+$0x0], $0xffff  }
0x5a: {  	v2 =	vld.idx.msk [tilespmem:v7+s14+$0x0], $0xffff;
	[tilespmem:s24+$0x30] =	vst v9  }
0x5b: {  	s25 =	simm.s32 $0x0;
	s26 =	simm.s32 $0x10C0;
	v4 =	vld.idx.msk [tilespmem:v8+s14+$0x0], $0xffff;
	[tilespmem:s24+$0xFFFFFFD0] =	vst v10  }
.LBB2_4:
0x5c: {  	v6 =	vld [tilespmem:s26+$0x30];
	s25 =	sadd.s32 $0x80, s25;
	[tilespmem:s24+$0xFFFFFFE0] =	vst v5  }
0x5d: {  	v5 =	vld [tilespmem:s26+$0xFFFFFFD0];
	p0 =	slt.u32 s25, $0xF80;
	[tilespmem:s24+$0xFFFFFFF0] =	vst v3  }
0x5e: {  	v3 =	vld [tilespmem:s26+$0xFFFFFFE0];
	[tilespmem:s24+$0x0] =	vst v0  }
0x5f: {  	v0 =	vld [tilespmem:s26+$0xFFFFFFF0];
	[tilespmem:s24+$0x10] =	vst v1  }
0x60: {  	v1 =	vld [tilespmem:s26+$0x0];
	[tilespmem:s24+$0x20] =	vst v2  }
0x61: {  	v2 =	vld [tilespmem:s26+$0x10];
	[tilespmem:s24+$0xFFFFFFC0] =	vst v4  }
0x62: {  	v4 =	vld [tilespmem:s26+$0x20]  }
0x63: {  	v7 =	vld [tilespmem:s26+$0xFFFFFFC0]  }
0x64: {  	v6 =	vld.idx.msk [tilespmem:v6+s14+$0x0], $0xffff  }
0x65: {  	v8 =	vld.idx.msk [tilespmem:v5+s14+$0x0], $0xffff  }
0x66: {  	v5 =	vld.idx.msk [tilespmem:v3+s14+$0x0], $0xffff  }
.Ltmp1:
0x67: {  	v3 =	vld.idx.msk [tilespmem:v0+s14+$0x0], $0xffff;
	(pc) =	sbr.rel @p0 .LBB2_4-.Ltmp1, $4  }
0x68: {  	v0 =	vld.idx.msk [tilespmem:v1+s14+$0x0], $0xffff  }
0x69: {  	s24 =	sadd.s32 $0x80, s24;
	v1 =	vld.idx.msk [tilespmem:v2+s14+$0x0], $0xffff  }
0x6a: {  	v2 =	vld.idx.msk [tilespmem:v4+s14+$0x0], $0xffff;
	[tilespmem:s24+$0x30] =	vst v6  }
0x6b: {  	s26 =	sadd.s32 $0x80, s26;
	v4 =	vld.idx.msk [tilespmem:v7+s14+$0x0], $0xffff;
	[tilespmem:s24+$0xFFFFFFD0] =	vst v8  }
0x6c: {  	[tilespmem:s24+$0xFFFFFFE0] =	vst v5  }
0x6d: {  	[tilespmem:s24+$0xFFFFFFF0] =	vst v3  }
0x6e: {  	[tilespmem:s24+$0x0] =	vst v0  }
0x6f: {  	[tilespmem:s24+$0x10] =	vst v1  }
0x70: {  	[tilespmem:s24+$0x20] =	vst v2  }
0x71: {  	s23 =	sadd.s32 $0x1, s23;
	[tilespmem:s24+$0xFFFFFFC0] =	vst v4  }
0x72: {  	[hbm4b:s8+s10] =	stream.strided.scatter [tilespmem:s20], [sflag:$0x6], $0x1000, s11, s10, $0x38;
	[tilespmem:$0x6000] =	vst v63  }
0x73: {  	p0 =	sne.s32 s23, s9;
	_ =	swait.ge [sflag:s21], $0x1000  }
.Ltmp2:
0x74: {  	[sflag:s21] =	ssyncset.done $0x0;
	(pc) =	sbr.rel @p0 .LBB2_1-.Ltmp2, $4  }
0x75: {  	[sflag:s21] =	ssyncadd.s32 $0xFFFFF000  }
0x76: {  	_ =	swait.ge [sflag:s22], $0x1000  }
0x77: {  	[sflag:s22] =	ssyncset.done $0x0  }
0x78: {  	[sflag:s22] =	ssyncadd.s32 $0xFFFFF000  }
0x79: {  	_ =	sfence.sel $0x180000  }
0x7a: {  	[bflag:$0x0] =	sbarrier.arrive $0xFFFF  }
0x7b: {  	p0 =	sne.s32 s1, $0x0;
	_ =	strace $0x90000047  }
0x7c: {  	s0 =	sadd.s32 @!p0 $0x100000, s0;
	[bflag:$0x2] =	sbarrier.arrive $0xFFFF  }
0x7d: {  	[sflag:s0] =	ssyncadd.tile.s32 @!p0 $0x1;
	_ =	shalt  }
.Lfunc_end2:
_tile_overlayer_lowered:
.L_overlay_start_2:
0x7e: {  	(tag) =	ssettag $0x2  }
0x7f: {  	s0 =	rddreg [dreg:$0x0];
	s2 =	stileid.u32  }
0x80: {  	s1 =	rddreg [dreg:$0x1];
	p0 =	sne.s32 s2, $0x0  }
0x81: {  	s3 =	rddreg [dreg:$0x2];
	[bflag:$0x3] =	sbarrier.arrive $0xFFFF;
	s2 =	simm.s32 @!p0 $0x1C07  }
0x82: {  	[timem:s3], [sflag:s2] =	dma.local @!p0 [hbm:s0], s1  }
0x83: {  	s0 =	simm.s32 @!p0 $0x7  }
0x84: {  	_ =	swait.ge @!p0 [sflag:s0], s1  }
0x85: {  	s1 =	ssub.s32 @!p0 $0x0, s1;
	[sflag:s0] =	ssyncset.done @!p0 $0x0  }
0x86: {  	[sflag:s0] =	ssyncadd.s32 @!p0 s1  }
0x87: {  	[bflag:$0x3] =	sbarrier.arrive $0xFFFF  }
0x88: {  	_ =	shalt  }

</sc_bundles>
